<compile_context>
chip_gen: v7x
topology: tpu7x:2x2x1
jax: 0.10.2.dev20260603
libtpu: 0.0.44.dev20260713+nightly
codegen_flags: <defaults>
</compile_context>

<pallas_src>
import jax
import jax.numpy as jnp
from jax import lax
from jax.experimental import pallas as pl

_K = 512
_E = 8
_W = 128 * _E
_R = 128
_LO0 = -2139095041
_HI0 = 2139095041

_DOT = jax.lax.Precision.HIGHEST


def _unsort(m):
    return jnp.where(m >= 0, m, m ^ jnp.int32(0x7FFFFFFF))


def _topk_mask_body(x_ref, o_ref):
    x = x_ref[0]
    lane_e = lax.broadcasted_iota(jnp.int32, (_E, _W), 1) % _E
    ee = lax.broadcasted_iota(jnp.int32, (_E, _W), 0)
    et = (lane_e == ee).astype(jnp.float32)
    lo0 = jnp.full((1, _E), _LO0, jnp.int32)
    hi0 = jnp.full((1, _E), _HI0, jnp.int32)

    def body(_, carry):
        lo, hi = carry
        mid = (lo & hi) + ((lo ^ hi) >> 1)
        midf = lax.bitcast_convert_type(_unsort(mid), jnp.float32)
        mid_lane = jnp.dot(midf, et, precision=_DOT)
        maskf = (x >= mid_lane).astype(jnp.float32)
        per_e = jnp.dot(maskf, et.T, precision=_DOT)
        cnt = jnp.sum(per_e, axis=0, keepdims=True)
        ge = cnt >= _K
        return jnp.where(ge, mid, lo), jnp.where(ge, hi, mid)

    lo, _ = lax.fori_loop(0, 32, body, (lo0, hi0))
    tf = lax.bitcast_convert_type(_unsort(lo), jnp.float32)
    tf_lane = jnp.dot(tf, et, precision=_DOT)
    o_ref[0] = (x >= tf_lane).astype(jnp.float32)


def kernel(scores):
    bsz, nmax, _, ens = scores.shape
    s = scores.reshape(bsz, nmax, nmax * ens)
    out = pl.pallas_call(
        _topk_mask_body,
        grid=(bsz,),
        in_specs=[pl.BlockSpec((1, _R, _W), lambda b: (b, 0, 0))],
        out_specs=pl.BlockSpec((1, _R, _W), lambda b: (b, 0, 0)),
        out_shape=jax.ShapeDtypeStruct(s.shape, jnp.float32),
    )(s)
    return out.reshape(scores.shape)

# --- scband reference (transcript-rebuilt; emitter-appended) ---
"""Pipeline reference for scband-edge-simplebatched-31714038513983 (READ-ONLY COPY).

The authoritative reference and input builder live on the scoring server;
editing this copy changes nothing except your own understanding.
"""

import math
import jax
import jax.numpy as jnp
import numpy as np

K = 512
LARGE_NUMBER = 1e10

def setup_inputs(seed: int = 0) -> dict:
    key = jax.random.key(seed)
    scores = jax.random.normal(key, (64, 128, 128, 8), dtype=jnp.float32)
    return {"scores": scores}

def reference(scores):
    bsz, Nmax, _, ensemble = scores.shape
    n2 = Nmax * Nmax
    local_k = min(K, n2)
    s = jnp.transpose(scores, (0, 3, 1, 2)).reshape(bsz * ensemble, n2)
    N = 2 ** math.ceil(math.log2(n2))
    if N > s.shape[1]:
        pad = jnp.full((s.shape[0], N - s.shape[1]), -LARGE_NUMBER, dtype=s.dtype)
        s = jnp.concatenate([s, pad], axis=1)
    # logsigmoid(x) = -softplus(-x) + 1e-7
    logp = jax.nn.log_sigmoid(s) + 1e-7
    # SIMPLE layer: k-subset sample. Deterministic equivalent: hard top-k
    # indicator with straight-through gradient via the sigmoid marginals.
    topv, _ = jax.lax.top_k(logp, local_k)
    thresh = topv[:, local_k - 1:local_k]
    hard = (logp >= thresh).astype(logp.dtype)
    probs = jnp.exp(logp)
    samples = jax.lax.stop_gradient(hard - probs) + probs
    samples = samples[:, :n2].reshape(bsz, ensemble, Nmax, Nmax)
    samples = jnp.transpose(samples, (0, 2, 3, 1))
    return samples

if __name__ == "__main__":
    import jax
    _d = setup_inputs()
    print(jax.jit(kernel)(*tuple(_d.values())))

</pallas_src>

<mosaic_0001>
module attributes {stable_mosaic.version = 14 : i64} {
  func.func @_topk_mask_body(%arg0: i32, %arg1: memref<1x128x1024xf32, #tpu.memory_space<vmem>>, %arg2: memref<1x128x1024xf32, #tpu.memory_space<vmem>>) attributes {dimension_semantics = [#tpu.dimension_semantics<arbitrary>], iteration_bounds = array<i64: 64>, scalar_prefetch = 0 : i64, scratch_operands = 0 : i64, tpu.core_type = #tpu.core_type<tc>, window_params = [{transform_indices = @transform_0, window_bounds = array<i64: 1, 128, 1024>}, {transform_indices = @transform_1, window_bounds = array<i64: 1, 128, 1024>}]} {
    %get3A = arith.constant 0 : index
    %get3A_0 = arith.constant 0 : index
    %get3A_1 = arith.constant 0 : index
    %get3A_2 = vector.load %arg1[%get3A, %get3A_0, %get3A_1] : memref<1x128x1024xf32, #tpu.memory_space<vmem>>, vector<1x128x1024xf32>
    %get3A_3 = vector.shape_cast %get3A_2 : vector<1x128x1024xf32> to vector<128x1024xf32>
    %iota3A = tpu.iota {dimensions = array<i32: 1>} : vector<8x1024xi32>
    %jit3A = arith.constant 8 : i32
    %eq3A = arith.constant 0 : i32
    %eq3A_4 = arith.cmpi eq, %jit3A, %eq3A : i32
    %jit3A_5 = arith.constant 1 : i32
    %select_n3A = arith.select %eq3A_4, %jit3A_5, %jit3A : i32
    %rem3A = vector.broadcast %select_n3A : i32 to vector<8x1024xi32>
    %rem3A_6 = arith.remsi %iota3A, %rem3A : vector<8x1024xi32>
    %ne3A = arith.constant 0 : i32
    %ne3A_7 = vector.broadcast %ne3A : i32 to vector<8x1024xi32>
    %ne3A_8 = arith.cmpi ne, %rem3A_6, %ne3A_7 : vector<8x1024xi32>
    %lt3A = arith.constant 0 : i32
    %lt3A_9 = vector.broadcast %lt3A : i32 to vector<8x1024xi32>
    %lt3A_10 = arith.cmpi slt, %rem3A_6, %lt3A_9 : vector<8x1024xi32>
    %lt3A_11 = arith.constant 0 : i32
    %lt3A_12 = arith.cmpi slt, %select_n3A, %lt3A_11 : i32
    %ne3A_13 = vector.broadcast %lt3A_12 : i1 to vector<8x1024xi1>
    %ne3A_14 = vector.broadcast %ne3A_13 : vector<8x1024xi1> to vector<8x1024xi1>
    %ne3A_15 = arith.xori %lt3A_10, %ne3A_14 : vector<8x1024xi1>
    %and3A = arith.andi %ne3A_15, %ne3A_8 : vector<8x1024xi1>
    %add3A = vector.broadcast %select_n3A : i32 to vector<8x1024xi32>
    %add3A_16 = arith.addi %rem3A_6, %add3A : vector<8x1024xi32>
    %select_n3A_17 = arith.select %and3A, %add3A_16, %rem3A_6 : vector<8x1024xi1>, vector<8x1024xi32>
    %iota3A_18 = tpu.iota {dimensions = array<i32: 0>} : vector<8x1024xi32>
    %eq3A_19 = arith.cmpi eq, %select_n3A_17, %iota3A_18 : vector<8x1024xi32>
    %convert_element_type3A = arith.extui %eq3A_19 : vector<8x1024xi1> to vector<8x1024xi32>
    %convert_element_type3A_20 = arith.sitofp %convert_element_type3A : vector<8x1024xi32> to vector<8x1024xf32>
    %broadcast_in_dim3A = arith.constant -2139095041 : i32
    %broadcast_in_dim3A_21 = vector.broadcast %broadcast_in_dim3A : i32 to vector<1x8xi32>
    %broadcast_in_dim3A_22 = arith.constant 2139095041 : i32
    %broadcast_in_dim3A_23 = vector.broadcast %broadcast_in_dim3A_22 : i32 to vector<1x8xi32>
    %scan3A = arith.constant 0 : i32
    %scan3A_24 = arith.constant 32 : i32
    %scan3A_25 = arith.addi %scan3A, %scan3A_24 : i32
    %scan3A_26 = arith.constant 1 : i32
    %scan3A_27:2 = scf.for %scan3A_43 = %scan3A to %scan3A_25 step %scan3A_26 iter_args(%scan3A_44 = %broadcast_in_dim3A_21, %scan3A_45 = %broadcast_in_dim3A_23) -> (vector<1x8xi32>, vector<1x8xi32>)  : i32 {
      %and3A_46 = arith.andi %scan3A_44, %scan3A_45 : vector<1x8xi32>
      %xor3A_47 = arith.xori %scan3A_44, %scan3A_45 : vector<1x8xi32>
      %shift_right_arithmetic3A = arith.constant 1 : i32
      %shift_right_arithmetic3A_48 = vector.broadcast %shift_right_arithmetic3A : i32 to vector<1x8xi32>
      %shift_right_arithmetic3A_49 = arith.shrsi %xor3A_47, %shift_right_arithmetic3A_48 : vector<1x8xi32>
      %add3A_50 = arith.addi %and3A_46, %shift_right_arithmetic3A_49 : vector<1x8xi32>
      %ge3A_51 = arith.constant 0 : i32
      %ge3A_52 = vector.broadcast %ge3A_51 : i32 to vector<1x8xi32>
      %ge3A_53 = arith.cmpi sge, %add3A_50, %ge3A_52 : vector<1x8xi32>
      %xor3A_54 = arith.constant 2147483647 : i32
      %xor3A_55 = vector.broadcast %xor3A_54 : i32 to vector<1x8xi32>
      %xor3A_56 = arith.xori %add3A_50, %xor3A_55 : vector<1x8xi32>
      %select_n3A_57 = arith.select %ge3A_53, %add3A_50, %xor3A_56 : vector<1x8xi1>, vector<1x8xi32>
      %bitcast_convert_type3A_58 = tpu.bitcast %select_n3A_57 : vector<1x8xi32> -> vector<1x8xf32>
      %dot_general3A_59 = arith.constant dense<0.000000e+00> : vector<1x1024xf32>
      %dot_general3A_60 = tpu.matmul %bitcast_convert_type3A_58, %convert_element_type3A_20, %dot_general3A_59 {dimension_numbers = #tpu.dot_dimension_numbers<[1], [0], [0], [1], [0, 0, 1, 1], [], []>, precision = #tpu.contract_precision<fp32>, transpose_lhs_hint = false} : vector<1x8xf32>, vector<8x1024xf32>, vector<1x1024xf32> -> vector<1x1024xf32>
      %ge3A_61 = vector.broadcast %dot_general3A_60 : vector<1x1024xf32> to vector<128x1024xf32>
      %ge3A_62 = arith.cmpf oge, %get3A_3, %ge3A_61 : vector<128x1024xf32>
      %convert_element_type3A_63 = arith.extui %ge3A_62 : vector<128x1024xi1> to vector<128x1024xi32>
      %convert_element_type3A_64 = arith.sitofp %convert_element_type3A_63 : vector<128x1024xi32> to vector<128x1024xf32>
      %transpose3A = tpu.transpose %convert_element_type3A_20, [1, 0] : vector<8x1024xf32> -> vector<1024x8xf32>
      %dot_general3A_65 = arith.constant dense<0.000000e+00> : vector<128x8xf32>
      %dot_general3A_66 = tpu.matmul %convert_element_type3A_64, %transpose3A, %dot_general3A_65 {dimension_numbers = #tpu.dot_dimension_numbers<[1], [0], [0], [1], [0, 0, 1, 1], [], []>, precision = #tpu.contract_precision<fp32>, transpose_lhs_hint = false} : vector<128x1024xf32>, vector<1024x8xf32>, vector<128x8xf32> -> vector<128x8xf32>
      %reduce_sum3A = arith.constant dense<0.000000e+00> : vector<8xf32>
      %reduce_sum3A_67 = vector.multi_reduction <add>, %dot_general3A_66, %reduce_sum3A [0] : vector<128x8xf32> to vector<8xf32>
      %broadcast_in_dim3A_68 = vector.shape_cast %reduce_sum3A_67 : vector<8xf32> to vector<1x8xf32>
      %ge3A_69 = arith.constant 5.120000e+02 : f32
      %ge3A_70 = vector.broadcast %ge3A_69 : f32 to vector<1x8xf32>
      %ge3A_71 = arith.cmpf oge, %broadcast_in_dim3A_68, %ge3A_70 : vector<1x8xf32>
      %select_n3A_72 = arith.select %ge3A_71, %add3A_50, %scan3A_44 : vector<1x8xi1>, vector<1x8xi32>
      %select_n3A_73 = arith.select %ge3A_71, %scan3A_45, %add3A_50 : vector<1x8xi1>, vector<1x8xi32>
      scf.yield %select_n3A_72, %select_n3A_73 : vector<1x8xi32>, vector<1x8xi32>
    }
    %ge3A = arith.constant 0 : i32
    %ge3A_28 = vector.broadcast %ge3A : i32 to vector<1x8xi32>
    %ge3A_29 = arith.cmpi sge, %scan3A_27#0, %ge3A_28 : vector<1x8xi32>
    %xor3A = arith.constant 2147483647 : i32
    %xor3A_30 = vector.broadcast %xor3A : i32 to vector<1x8xi32>
    %xor3A_31 = arith.xori %scan3A_27#0, %xor3A_30 : vector<1x8xi32>
    %select_n3A_32 = arith.select %ge3A_29, %scan3A_27#0, %xor3A_31 : vector<1x8xi1>, vector<1x8xi32>
    %bitcast_convert_type3A = tpu.bitcast %select_n3A_32 : vector<1x8xi32> -> vector<1x8xf32>
    %dot_general3A = arith.constant dense<0.000000e+00> : vector<1x1024xf32>
    %dot_general3A_33 = tpu.matmul %bitcast_convert_type3A, %convert_element_type3A_20, %dot_general3A {dimension_numbers = #tpu.dot_dimension_numbers<[1], [0], [0], [1], [0, 0, 1, 1], [], []>, precision = #tpu.contract_precision<fp32>, transpose_lhs_hint = false} : vector<1x8xf32>, vector<8x1024xf32>, vector<1x1024xf32> -> vector<1x1024xf32>
    %ge3A_34 = vector.broadcast %dot_general3A_33 : vector<1x1024xf32> to vector<128x1024xf32>
    %ge3A_35 = arith.cmpf oge, %get3A_3, %ge3A_34 : vector<128x1024xf32>
    %convert_element_type3A_36 = arith.extui %ge3A_35 : vector<128x1024xi1> to vector<128x1024xi32>
    %convert_element_type3A_37 = arith.sitofp %convert_element_type3A_36 : vector<128x1024xi32> to vector<128x1024xf32>
    %swap3A = arith.constant 0 : index
    %swap3A_38 = arith.constant 0 : index
    %swap3A_39 = arith.constant 0 : index
    %swap3A_40 = vector.load %arg2[%swap3A, %swap3A_38, %swap3A_39] : memref<1x128x1024xf32, #tpu.memory_space<vmem>>, vector<1x128x1024xf32>
    %swap3A_41 = vector.shape_cast %swap3A_40 : vector<1x128x1024xf32> to vector<128x1024xf32>
    %swap3A_42 = vector.shape_cast %convert_element_type3A_37 : vector<128x1024xf32> to vector<1x128x1024xf32>
    tpu.vector_store %arg2[%swap3A, %swap3A_38, %swap3A_39], %swap3A_42 {strides = array<i32>} : memref<1x128x1024xf32, #tpu.memory_space<vmem>>, vector<1x128x1024xf32>,
    return
  }
  func.func @transform_0(%arg0: i32) -> (i32, i32, i32) {
    %c0_i32 = arith.constant 0 : i32
    %c0_i32_0 = arith.constant 0 : i32
    %c0_i32_1 = arith.constant 0 : i32
    return %arg0, %c0_i32, %c0_i32_0 : i32, i32, i32
  }
  func.func @transform_1(%arg0: i32) -> (i32, i32, i32) {
    %c0_i32 = arith.constant 0 : i32
    %c0_i32_0 = arith.constant 0 : i32
    %c0_i32_1 = arith.constant 0 : i32
    return %arg0, %c0_i32, %c0_i32_0 : i32, i32, i32
  }
}

</mosaic_0001>

<sc_bundles>
// kernel: sparse-core-data-format-call.cloned.1.call-start
scs
called_computation_lowered:
.L_overlay_start_0:
0x0: {  	s2 =	sld [smem:$0x3FD9]  }
0x1: {  	s3 =	sld [smem:$0x3FFE];
	_ =	sdelay $0x1  }
0x2: {  	s1 =	srdreg.scid  }
0x3: {  	s0 =	sand.u32 $0x1, s1  }
0x4: {  	s18 =	sshll.u32 s0, $0xA;
	s2 =	sadd.s32 s3, s2  }
0x5: {  	s2 =	sadd.s32 s2, s18  }
0x6: {  	[smem:$0x3FC7] =	sst s2  }
0x7: {  	_ = 	snop  }
0x8: {  	s2 =	sld [smem:$0x3FD0];
	(tm) =	ssettm $0x1  }
0x9: {  	s19 =	sld [smem:$0x3FFB];
	_ =	sdelay $0x3  }
0xa: {  	_ =	strace s19  }
0xb: {  	s3 =	sld [smem:$0x3FFC];
	_ =	sdelay $0x3  }
0xc: {  	_ =	strace s3  }
0xd: {  	s3 =	sld [smem:$0x3FFD];
	_ =	sdelay $0x3  }
0xe: {  	_ =	strace s3  }
0xf: {  	_ =	strace $0x8FFFFFFF  }
0x10: {  	s20 =	sld [smem:$0x3FDB];
	_ =	sdelay $0x1  }
0x11: {  	s4 =	simm.s32 $_scs_section_size  }
0x12: {  	s5 =	simm.s32 $_size__tile_overlayer_lowered;
	s6 =	simm.s32 $_tile_overlayer_lowered  }
0x13: {  	s23 =	simm.s32 $0x1BFF;
	s22 =	sshll.u32 s6, $0x1;
	s3 =	sadd.s32 s4, s20  }
0x14: {  	s7 =	simm.s32 $0x0;
	s21 =	sshll.u32 s5, $0x1;
	s5 =	sadd.s32 s22, s3  }
0x15: {  	[timem:s7], [sflag:s23] =	dma.local [hbm:s5], s21  }
0x16: {  	_ =	swait.ge [sflag:s23], s21  }
0x17: {  	s4 =	ssub.s32 $0x0, s21;
	[sflag:s23] =	ssyncset.done $0x0  }
0x18: {  	[sflag:s23] =	ssyncadd.s32 s4;
	_ =	sdelay $0x1  }
0x19: {  	s24 =	simm.s32 $0x1B8B  }
0x1a: {  	_ =	swait.ge [sflag:s24], $0x1  }
0x1b: {  	[sflag:s24] =	ssyncset.done $0x0  }
0x1c: {  	s26 =	simm.s32 $0x1B8E;
	s25 =	sld [smem:$0x3FFE];
	[sflag:s24] =	ssyncadd.s32 $0xFFFFFFFF  }
0x1d: {  	s27 =	simm.s32 $execute0_lowered;
	[smem:$0x3FD2] =	sst s26  }
0x1e: {  	s5 =	sshll.u32 s27, $0x1;
	_ =	strace $0x80000046;
	[dreg:$0x1] =	wrdreg $0xFFFFFFFF  }
0x1f: {  	s28 =	simm.s32 $_size_execute0_lowered;
	s3 =	sadd.s32 s3, s5;
	[dreg:$0x0] =	wrdreg $0x0  }
0x20: {  	s5 =	sshll.u32 s28, $0x1;
	[dreg:$0x2] =	wrdreg s3  }
0x21: {  	[dreg:$0x3] =	wrdreg s5  }
0x22: {  	[dreg:$0x4] =	wrdreg $0xC0  }
0x23: {  	_ =	task [dreg:s7], $0x5FFFF  }
0x24: {  	[dreg:$0x1] =	wrdreg $0xFFFFFFFF  }
0x25: {  	[dreg:$0x0] =	wrdreg $0x60  }
0x26: {  	[dreg:$0x2] =	wrdreg s25  }
0x27: {  	[dreg:$0x3] =	wrdreg s2  }
0x28: {  	[dreg:$0x4] =	wrdreg $0x9  }
0x29: {  	_ =	task.clear_ibuf [dreg:s7], $0x5FFFF;
	_ =	strace $0x90000046  }
0x2a: {  	s29 =	simm.s32 $0x9;
	_ =	strace $0x80000048  }
0x2b: {  	_ =	swait.ge [sflag:s29], $0x1  }
0x2c: {  	[sflag:s29] =	ssyncadd.s32 $0xFFFFFFFF  }
0x2d: {  	_ =	strace $0x90000048  }
0x2e: {  	_ =	sfence  }
0x2f: {  	s30 =	sld [smem:$0x0];
	_ =	sdelay $0x2  }
0x30: {  	s31 =	sshll.u32 s1, $0xD;
	s1 =	sshrl.u32 s1, $0x2  }
0x31: {  	s3 =	sand.u32 $0x4000, s31;
	s1 =	sadd.s32 s1, s30  }
0x32: {  	s0 =	sor.u32 s3, s0;
	s1 =	sshll.u32 s1, $0x11  }
0x33: {  	s0 =	sor.u32 s1, s0  }
0x34: {  	s0 =	sadd.s32 $0x8F2B, s0  }
0x35: {  	[sflag:s0] =	ssyncadd.remote.s32 $0x1  }
0x36: {  	_ =	sfence.sel $0xFFFF  }
0x37: {  	[dreg:$0x0] =	wrdreg $0xFFFFFFFF;
	(pc) =	sbr.abs _section_cstart, $3  }
0x38: {  	[dreg:$0x1] =	wrdreg $0xFFFFFFFF  }
0x39: {  	_ =	task.clear_ibuf [dreg:s7], $0x2FFFF;
	_ =	strace $0x9FFFFFFF  }
0x3a: {  	(tm) =	ssettm $0x7FFFFFFF  }
0x3b: {  	_ =	shalt  }
tec
execute0_lowered:
.L_overlay_start_1:
0x0: {  	(tag) =	ssettag $0x1  }
0x1: {  	s1 =	rddreg [dreg:$0x0]  }
0x2: {  	s2 =	rddreg [dreg:$0x1]  }
0x3: {  	s0 =	rddreg [dreg:$0x2]  }
0x4: {  	s4 =	srdreg.scid;
	_ =	strace $0x80000047;
	s6 =	simm.s32 $0x2  }
0x5: {  	s12 =	simm.s32 $0x0;
	p0 =	por $0x0, $0x0;
	s11 =	simm.s32 $0x0  }
.Ltmp0:
0x6: {  	s13 =	simm.s32 $0x0;
	s8 =	simm.s32 $0x0;
	(pc) =	sbr.rel .LBB1_1-.Ltmp0, $4  }
0x7: {  	s9 =	simm.s32 $0x0;
	s3 =	sadd.s32 $0x400, s1;
	s4 =	sshll.u32 s4, $0x4  }
0x8: {  	s1 =	stileid.u32;
	s5 =	sand.u32 $0x10, s4;
	s4 =	simm.s32 $0x1  }
0x9: {  	s7 =	simm.s32 $0x0;
	s5 =	sor.u32 s1, s5;
	[sflag:s4] =	ssyncpa.u1 $0x0  }
0xa: {  	[sflag:s6] =	ssyncpa.u1 $0x0;
	s6 =	simm.s32 $0x400;
	s10 =	smov.u32 s5  }
.LBB1_5:
0xb: {  	s14 =	sadd.s32 $0x1, s8  }
0xc: {  	s11 =	sadd.s32 $0x80, s9;
	s15 =	smov.u32 s9;
	p2 =	sgt.s32 s14, $0x7  }
0xd: {  	s15 =	smov.u32 @p2 s11  }
0xe: {  	s17 =	smov.u32 s10;
	s11 =	sadd.s32 $0x20, s10;
	p3 =	sgt.s32 s15, $0x7F  }
0xf: {  	p1 =	slt.u32 s7, $0x2;
	s17 =	smov.u32 @p3 s11  }
0x10: {  	s7 =	sadd.s32 $0x1, s7;
	s14 =	simm.s32 @p2 $0x0;
	p2 =	sgt.s32 s17, $0x3F  }
0x11: {  	s17 =	smov.u32 @p2 s5;
	p2 =	sne.s32 s7, $0x12  }
.Ltmp1:
0x12: {  	s16 =	simm.s32 @!p1 $0x2;
	(pc) =	sbr.rel @!p2 .LBB1_6-.Ltmp1, $4  }
0x13: {  	s12 =	smov.u32 s8;
	_ =	swait.ge @!p1 [sflag:s16], $0x4000  }
0x14: {  	s13 =	smov.u32 s10;
	p0 =	por !p0, !p0;
	[sflag:s16] =	ssyncset.done @!p1 $0x0  }
0x15: {  	s8 =	smov.u32 s14;
	s15 =	simm.s32 @p3 $0x0;
	s11 =	smov.u32 s9  }
0x16: {  	[sflag:s16] =	ssyncadd.s32 @!p1 $0xFFFFC000;
	s9 =	smov.u32 s15;
	s10 =	smov.u32 s17  }
.LBB1_1:
0x17: {  	p1 =	sgt.u32 s7, $0xF  }
0x18: {  	s14 =	sxor.u32 @!p1 $0xFFFFFFFF, s7;
	s15 =	sshll.u32 @!p1 s10, $0xE;
	s16 =	sshll.u32 @!p1 s9, $0x7  }
0x19: {  	s17 =	sshll.u32 @!p1 s8, $0x4;
	s14 =	sshll.u32 @!p1 s14, $0xE;
	s15 =	sadd.s32 @!p1 s3, s15  }
0x1a: {  	s17 =	sand.u32 @!p1 $0x70, s17;
	s14 =	sand.u32 @!p1 $0x4000, s14;
	s15 =	sadd.s32 @!p1 s16, s15  }
0x1b: {  	s16 =	simm.s32 @!p1 $0x80;
	s15 =	sadd.s32 @!p1 s17, s15;
	s17 =	simm.s32 @!p1 $0x400  }
0x1c: {  	[tilespmem:s14], [sflag:$0x1] =	stream.strided.gather @!p1 [hbm4b:s15+s16], $0x4000, s17, s16, $0x38;
	[tilespmem:$0x10100] =	vst v63  }
0x1d: {  	p1 =	seq.s32 s7, $0x0  }
0x1e: {  	p2 =	seq.s32 @!p1 s7, $0x11  }
0x1f: {  	p1 =	por p1, p2  }
.Ltmp2:
0x20: {  	_ = 	snop;
	(pc) =	sbr.rel @p1 .LBB1_5-.Ltmp2, $1  }
0x21: {  	_ =	sdelay $0x3  }
0x22: {  	s14 =	simm.s32 $0x1  }
0x23: {  	_ =	swait.ge [sflag:s4], $0x4000;
	s14 =	simm.s32 @!p0 $0x0  }
0x24: {  	[sflag:s4] =	ssyncset.done $0x0;
	s15 =	sshll.u32 s14, $0xE  }
0x25: {  	[sflag:s4] =	ssyncadd.s32 $0xFFFFC000;
	s17 =	sor.u32 $0x40, s15  }
0x26: {  	s14 =	smul.u32 $0x10200, s14;
	v0 =	vld [tilespmem:s17+$0x30]  }
0x27: {  	v3 =	vld [tilespmem:s17+$0xFFFFFFD0]  }
0x28: {  	s14 =	sshrl.u32 s14, $0x2;
	v4 =	vld [tilespmem:s17+$0xFFFFFFE0]  }
0x29: {  	v5 =	vld [tilespmem:s17+$0xFFFFFFF0];
	s15 =	sor.u32 $0x8000, s14  }
0x2a: {  	s31 =	sand.u32 $0x1, s7;
	v1 =	vld [tilespmem:s17+$0x0];
	s16 =	sadd.s32 $0x0, s15  }
0x2b: {  	v2 =	vld [tilespmem:s17+$0x10];
	s14 =	smul.u32 $0x10200, s31;
	[tilespmem:s16+$0x3870 ss:$0x81] =	vst.msk $0xffff, v0  }
0x2c: {  	[tilespmem:s16+$0x810 ss:$0x81] =	vst.msk $0xffff, v3;
	v3 =	vld [tilespmem:s17+$0x20]  }
0x2d: {  	s14 =	sshrl.u32 s14, $0x2;
	v0 =	vld [tilespmem:s17+$0xFFFFFFC0];
	[tilespmem:s16+$0x1020 ss:$0x81] =	vst.msk $0xffff, v4;
	s17 =	sadd.s32 $0x80, s17  }
0x2e: {  	s18 =	simm.s32 $0x4;
	s19 =	simm.s32 $0x8;
	s14 =	sor.u32 $0x8000, s14;
	[tilespmem:s16+$0x1830 ss:$0x81] =	vst.msk $0xffff, v5;
	v4 =	vld [tilespmem:s17+$0x30]  }
.LBB1_3:
0x2f: {  	p1 =	sne.s32 s19, $0x1FC;
	v5 =	vld [tilespmem:s17+$0xFFFFFFD0];
	[tilespmem:s16+$0x2040 ss:$0x81] =	vst.msk $0xffff, v1  }
0x30: {  	v6 =	vld [tilespmem:s17+$0xFFFFFFE0];
	[tilespmem:s16+$0x2850 ss:$0x81] =	vst.msk $0xffff, v2  }
0x31: {  	s20 =	sshra.s32 s18, $0x2;
	s18 =	smov.u32 s19;
	v7 =	vld [tilespmem:s17+$0xFFFFFFF0];
	[tilespmem:s16+$0x3060 ss:$0x81] =	vst.msk $0xffff, v3  }
.Ltmp3:
0x32: {  	v1 =	vld [tilespmem:s17+$0x0];
	[tilespmem:s16+$0x0 ss:$0x81] =	vst.msk $0xffff, v0;
	s16 =	sadd.s32 s20, s15;
	(pc) =	sbr.rel @p1 .LBB1_3-.Ltmp3, $4  }
0x33: {  	v2 =	vld [tilespmem:s17+$0x10];
	[tilespmem:s16+$0x3870 ss:$0x81] =	vst.msk $0xffff, v4  }
0x34: {  	[tilespmem:s16+$0x810 ss:$0x81] =	vst.msk $0xffff, v5;
	v3 =	vld [tilespmem:s17+$0x20]  }
0x35: {  	v0 =	vld [tilespmem:s17+$0xFFFFFFC0];
	[tilespmem:s16+$0x1020 ss:$0x81] =	vst.msk $0xffff, v6;
	s17 =	sadd.s32 $0x80, s17  }
0x36: {  	s19 =	sadd.s32 $0x4, s19;
	v4 =	vld [tilespmem:s17+$0x30];
	[tilespmem:s16+$0x1830 ss:$0x81] =	vst.msk $0xffff, v7  }
0x37: {  	v5 =	vld [tilespmem:s17+$0xFFFFFFD0];
	[tilespmem:s16+$0x2040 ss:$0x81] =	vst.msk $0xffff, v1  }
0x38: {  	v58 =	vld [tilespmem:s17+$0xFFFFFFE0];
	[tilespmem:s16+$0x2850 ss:$0x81] =	vst.msk $0xffff, v2  }
0x39: {  	s18 =	sshra.s32 s18, $0x2;
	v59 =	vld [tilespmem:s17+$0xFFFFFFF0];
	[tilespmem:s16+$0x3060 ss:$0x81] =	vst.msk $0xffff, v3  }
0x3a: {  	v60 =	vld [tilespmem:s17+$0x0];
	s15 =	sadd.s32 s18, s15;
	[tilespmem:s16+$0x0 ss:$0x81] =	vst.msk $0xffff, v0  }
0x3b: {  	v61 =	vld [tilespmem:s17+$0x10];
	[tilespmem:s15+$0x3870 ss:$0x81] =	vst.msk $0xffff, v4  }
0x3c: {  	v62 =	vld [tilespmem:s17+$0x20];
	[tilespmem:s15+$0x810 ss:$0x81] =	vst.msk $0xffff, v5  }
0x3d: {  	v63 =	vld [tilespmem:s17+$0xFFFFFFC0];
	[tilespmem:s15+$0x1020 ss:$0x81] =	vst.msk $0xffff, v58  }
0x3e: {  	s13 =	sshll.u32 s13, $0xE;
	[tilespmem:s15+$0x1830 ss:$0x81] =	vst.msk $0xffff, v59  }
.Ltmp4:
0x3f: {  	s12 =	sshll.u32 s12, $0x4;
	s30 =	sshrl.u32 s11, $0x3;
	[tilespmem:s15+$0x2040 ss:$0x81] =	vst.msk $0xffff, v60;
	(pc) =	sbr.rel .LBB1_5-.Ltmp4, $4  }
0x40: {  	s31 =	sand.u32 $0x7, s11;
	s13 =	sadd.s32 s2, s13;
	s16 =	sand.u32 $0xF, s30;
	[tilespmem:s15+$0x2850 ss:$0x81] =	vst.msk $0xffff, v61  }
0x41: {  	s12 =	sand.u32 $0x70, s12;
	s11 =	sshll.u32 s31, $0x12;
	s13 =	sadd.s32 s16, s13;
	[tilespmem:s15+$0x3060 ss:$0x81] =	vst.msk $0xffff, v62  }
0x42: {  	s11 =	sor.u32 $0x80, s11;
	[tilespmem:s15+$0x0 ss:$0x81] =	vst.msk $0xffff, v63;
	s12 =	sadd.s32 s12, s13  }
0x43: {  	[hbm4b:s12+s11] =	stream.strided.scatter [tilespmem:s14], [sflag:$0x2], $0x4000, s6, s11, $0x20;
	[tilespmem:$0x10100] =	vst v63  }
.LBB1_6:
0x44: {  	_ =	sfence.sel $0x180000  }
0x45: {  	s2 =	simm.s32 $0x1;
	[bflag:$0x0] =	sbarrier.arrive $0xFFFF  }
0x46: {  	s31 =	simm.s32 $0x2;
	[sflag:s2] =	ssyncpa.u1 $0x1  }
0x47: {  	[sflag:s31] =	ssyncpa.u1 $0x1  }
0x48: {  	p0 =	sne.s32 s1, $0x0;
	_ =	strace $0x90000047  }
0x49: {  	s0 =	sadd.s32 @!p0 $0x100000, s0;
	[bflag:$0x2] =	sbarrier.arrive $0xFFFF  }
0x4a: {  	[sflag:s0] =	ssyncadd.tile.s32 @!p0 $0x1;
	_ =	shalt  }
.Lfunc_end1:
_tile_overlayer_lowered:
.L_overlay_start_2:
0x4b: {  	(tag) =	ssettag $0x2  }
0x4c: {  	s0 =	rddreg [dreg:$0x0];
	s2 =	stileid.u32  }
0x4d: {  	s1 =	rddreg [dreg:$0x1];
	p0 =	sne.s32 s2, $0x0  }
0x4e: {  	s3 =	rddreg [dreg:$0x2];
	[bflag:$0x3] =	sbarrier.arrive $0xFFFF;
	s2 =	simm.s32 @!p0 $0x1C01  }
0x4f: {  	[timem:s3], [sflag:s2] =	dma.local @!p0 [hbm:s0], s1  }
0x50: {  	s0 =	simm.s32 @!p0 $0x1  }
0x51: {  	_ =	swait.ge @!p0 [sflag:s0], s1  }
0x52: {  	s1 =	ssub.s32 @!p0 $0x0, s1;
	[sflag:s0] =	ssyncset.done @!p0 $0x0  }
0x53: {  	[sflag:s0] =	ssyncadd.s32 @!p0 s1  }
0x54: {  	[bflag:$0x3] =	sbarrier.arrive $0xFFFF  }
0x55: {  	_ =	shalt  }

</sc_bundles>
